<compile_context>
chip_gen: v7x
topology: tpu7x:2x2x1
jax: 0.10.2.dev20260603
libtpu: 0.0.44.dev20260713+nightly
codegen_flags: <defaults>
</compile_context>

<pallas_src>
import functools

import jax
import jax.numpy as jnp
import numpy as np
from jax.experimental import pallas as pl
from jax.experimental.pallas import tpu as pltpu

_EMBED_DIM = 128
_DIM1 = _EMBED_DIM // 3
_DIM2 = _EMBED_DIM - 2 * _DIM1
_HALF = _EMBED_DIM // 2


def _chn_emb_body(mus_ref, t_ref, r_ref, o_ref, out_ref):
    mus = mus_ref[...]
    R, C = mus.shape

    neg = mus < 0.0
    idxs = jnp.clip(jnp.floor(-mus - 1.0), 0.0, 11.0)
    s = jnp.where(neg, -idxs - 1.0, jnp.floor(mus))
    s_b = jnp.broadcast_to(s[:, :, None], (R, C, _EMBED_DIM))

    d = jax.lax.broadcasted_iota(jnp.int32, (1, 1, _EMBED_DIM), 2)
    dm = (d % _HALF).astype(jnp.float32)
    omega_t = jnp.exp(dm * jnp.float32(-np.log(10000.0) / _HALF)
                      + jnp.float32(-np.log(2.0 * np.pi)))
    phase_t = jnp.where(d >= _HALF, jnp.float32(0.25), jnp.float32(0.0))

    y0 = s_b * omega_t + phase_t
    y = y0 - jnp.floor(y0 + jnp.float32(0.5))
    y2 = y * y
    p = jnp.float32(32.782657623291016)
    p = p * y2 + jnp.float32(-74.47864532470703)
    p = p * y2 + jnp.float32(81.3669204711914)
    p = p * y2 + jnp.float32(-41.33122253417969)
    p = p * y2 + jnp.float32(6.283055782318115)
    opt_val = p * y

    t0 = t_ref[0]
    t1 = t_ref[1]
    r0 = r_ref[0]
    r1 = r_ref[1]
    v0 = t0 + r0
    v1 = t0 + r1
    v2 = t1 + r1
    v3 = t1 + r0
    c1 = (-11.0 * v0 + 18.0 * v1 - 9.0 * v2 + 2.0 * v3) * jnp.float32(1.0 / 6.0)
    c2 = (2.0 * v0 - 5.0 * v1 + 4.0 * v2 - v3) * jnp.float32(0.5)
    c3 = (-v0 + 3.0 * v1 - 3.0 * v2 + v3) * jnp.float32(1.0 / 6.0)
    o0 = o_ref[0]
    o1 = o_ref[1]
    w0 = (o0 + o1) * 0.5
    g1 = (-3.0 * w0 + 4.0 * o0 - o1) * jnp.float32(0.5)
    g2 = (w0 - 2.0 * o0 + o1) * jnp.float32(0.5)

    idx_b = jnp.float32(-1.0) - s_b
    q = jnp.floor(idx_b * jnp.float32(0.25))
    rm = idx_b - 4.0 * q
    tr = ((c3 * rm + c2) * rm + c1) * rm + v0
    orb = (g2 * q + g1) * q + w0
    sar_val = tr + orb

    out_ref[...] = jnp.where(s_b < 0.0, sar_val, opt_val)


def _chn_emb(mus, t_pad, r_pad, o_pad, block_r):
    B, C = mus.shape
    grid = (B // block_r,)
    out = pl.pallas_call(
        _chn_emb_body,
        grid=grid,
        in_specs=[
            pl.BlockSpec((block_r, C), lambda i: (i, 0)),
            pl.BlockSpec((2, _EMBED_DIM), lambda i: (0, 0)),
            pl.BlockSpec((2, _EMBED_DIM), lambda i: (0, 0)),
            pl.BlockSpec((2, _EMBED_DIM), lambda i: (0, 0)),
        ],
        out_specs=pl.BlockSpec((block_r, C, _EMBED_DIM), lambda i: (i, 0, 0)),
        out_shape=jax.ShapeDtypeStruct((B, C, _EMBED_DIM), jnp.float32),
        compiler_params=pltpu.CompilerParams(
            dimension_semantics=("arbitrary",),
        ),
    )(mus, t_pad, r_pad, o_pad)
    return out


def kernel(input, embed_transmit, embed_receive, embed_orbit):
    B, C = input.shape
    CP = 56
    mus_p = jnp.pad(input, ((0, 0), (0, CP - C)))
    t_pad = jnp.pad(embed_transmit, ((0, 0), (0, _EMBED_DIM - _DIM1)))
    r_pad = jnp.pad(embed_receive, ((0, 0), (_DIM1, _DIM2)))
    o_pad = jnp.pad(embed_orbit, ((0, 0), (2 * _DIM1, 0)))
    out = _chn_emb(mus_p, t_pad, r_pad, o_pad, block_r=256)
    return jax.lax.slice(out, (0, 0, 0), (B, C, _EMBED_DIM))

# --- scband reference (transcript-rebuilt; emitter-appended) ---
"""Pipeline reference for scband-chn-emb-16312285790981 (READ-ONLY COPY).

The authoritative reference and input builder live on the scoring server;
editing this copy changes nothing except your own understanding.
"""

import jax, jax.numpy as jnp
import numpy as np

EMBED_DIM = 128
OPT_COARSITY = 1
DIM1 = EMBED_DIM // 3
DIM2 = EMBED_DIM - 2 * DIM1


def setup_inputs(seed: int = 0) -> dict:
    key = jax.random.key(seed)
    k1, k2, k3, k4 = jax.random.split(key, 4)
    inp = jax.random.normal(k1, (16384, 50), dtype=jnp.float32)
    embed_transmit = jax.random.normal(k2, (2, DIM1), dtype=jnp.float32) * 0.02
    embed_receive = jax.random.normal(k3, (2, DIM1), dtype=jnp.float32) * 0.02
    embed_orbit = jax.random.normal(k4, (2, DIM2), dtype=jnp.float32) * 0.02
    return {"input": inp, "embed_transmit": embed_transmit,
            "embed_receive": embed_receive, "embed_orbit": embed_orbit}


def _sincos_1d(embed_dim, pos):
    # get_1d_sincos_pos_embed_from_grid_torch equivalent
    omega = jnp.arange(embed_dim // 2, dtype=jnp.float32)
    omega = omega / (embed_dim / 2.0)
    omega = 1.0 / (10000.0 ** omega)
    pos = pos.reshape(-1)
    out = pos[:, None] * omega[None, :]  # einsum('m,d->md')
    return jnp.concatenate([jnp.sin(out), jnp.cos(out)], axis=1)


def reference(input, embed_transmit, embed_receive, embed_orbit):
    embed_dim = EMBED_DIM
    mus = input  # ndim == 2 path
    sar_indices = mus < 0
    opt_indices = jnp.logical_not(sar_indices)
    # in torch this is an in-place update of mus at optical positions
    mus = jnp.where(opt_indices, jnp.floor_divide(mus, float(OPT_COARSITY)), mus)
    B, C = mus.shape
    # optical: sincos positional embedding of (coarsened) central wavelength
    opt_embs = _sincos_1d(embed_dim, mus).reshape(B, C, embed_dim)
    # SAR: build the 12-row combinatorial table from learned params
    transmit = jnp.tile(
        jnp.concatenate([jnp.tile(embed_transmit[0:1], (2, 1)),
                         jnp.tile(embed_transmit[1:2], (2, 1))], axis=0), (3, 1))
    receive = jnp.tile(
        jnp.concatenate([embed_receive[0:1],
                         jnp.tile(embed_receive[1:2], (2, 1)),
                         embed_receive[0:1]], axis=0), (3, 1))
    orbit = jnp.repeat(
        jnp.stack([embed_orbit.mean(axis=0), embed_orbit[0], embed_orbit[1]]), 4, axis=0)
    sar_embs = jnp.concatenate([transmit, receive, orbit], axis=1)  # [12, embed_dim]
    idx = jnp.clip((-(mus + 1.0)).astype(jnp.int32), 0, sar_embs.shape[0] - 1)
    sar_gathered = jnp.take(sar_embs, idx, axis=0)  # [B, C, embed_dim]
    # scatter by mask: sar positions get table rows, optical get sincos
    embs = jnp.where(sar_indices[..., None], sar_gathered, opt_embs)
    return embs

if __name__ == "__main__":
    import jax
    _d = setup_inputs()
    print(jax.jit(kernel)(*tuple(_d.values())))

</pallas_src>

<mosaic_0001>
module attributes {stable_mosaic.version = 14 : i64} {
  func.func @_chn_emb_body(%arg0: i32, %arg1: memref<256x56xf32, #tpu.memory_space<vmem>>, %arg2: memref<2x128xf32, #tpu.memory_space<vmem>>, %arg3: memref<2x128xf32, #tpu.memory_space<vmem>>, %arg4: memref<2x128xf32, #tpu.memory_space<vmem>>, %arg5: memref<256x56x128xf32, #tpu.memory_space<vmem>>) attributes {dimension_semantics = [#tpu.dimension_semantics<arbitrary>], iteration_bounds = array<i64: 64>, scalar_prefetch = 0 : i64, scratch_operands = 0 : i64, tpu.core_type = #tpu.core_type<tc>, window_params = [{transform_indices = @transform_0, window_bounds = array<i64: 256, 56>}, {pipeline_mode = #tpu.pipeline_mode<synchronous>, transform_indices = @transform_1, window_bounds = array<i64: 2, 128>}, {pipeline_mode = #tpu.pipeline_mode<synchronous>, transform_indices = @transform_2, window_bounds = array<i64: 2, 128>}, {pipeline_mode = #tpu.pipeline_mode<synchronous>, transform_indices = @transform_3, window_bounds = array<i64: 2, 128>}, {transform_indices = @transform_4, window_bounds = array<i64: 256, 56, 128>}]} {
    %get3A = arith.constant 0 : index
    %get3A_0 = arith.constant 0 : index
    %get3A_1 = vector.load %arg1[%get3A, %get3A_0] : memref<256x56xf32, #tpu.memory_space<vmem>>, vector<256x56xf32>
    %lt3A = arith.constant 0.000000e+00 : f32
    %lt3A_2 = vector.broadcast %lt3A : f32 to vector<256x56xf32>
    %lt3A_3 = arith.cmpf olt, %get3A_1, %lt3A_2 : vector<256x56xf32>
    %neg3A = arith.constant 0.000000e+00 : f32
    %neg3A_4 = vector.broadcast %neg3A : f32 to vector<256x56xf32>
    %neg3A_5 = arith.subf %neg3A_4, %get3A_1 : vector<256x56xf32>
    %sub3A = arith.constant 1.000000e+00 : f32
    %sub3A_6 = vector.broadcast %sub3A : f32 to vector<256x56xf32>
    %sub3A_7 = arith.subf %neg3A_5, %sub3A_6 : vector<256x56xf32>
    %floor3A = math.floor %sub3A_7 : vector<256x56xf32>
    %jit3A = arith.constant 0.000000e+00 : f32
    %jit3A_8 = arith.constant 1.100000e+01 : f32
    %max3A = vector.broadcast %jit3A : f32 to vector<256x56xf32>
    %max3A_9 = arith.maximumf %max3A, %floor3A : vector<256x56xf32>
    %min3A = vector.broadcast %jit3A_8 : f32 to vector<256x56xf32>
    %min3A_10 = arith.minimumf %min3A, %max3A_9 : vector<256x56xf32>
    %neg3A_11 = arith.constant 0.000000e+00 : f32
    %neg3A_12 = vector.broadcast %neg3A_11 : f32 to vector<256x56xf32>
    %neg3A_13 = arith.subf %neg3A_12, %min3A_10 : vector<256x56xf32>
    %sub3A_14 = arith.constant 1.000000e+00 : f32
    %sub3A_15 = vector.broadcast %sub3A_14 : f32 to vector<256x56xf32>
    %sub3A_16 = arith.subf %neg3A_13, %sub3A_15 : vector<256x56xf32>
    %floor3A_17 = math.floor %get3A_1 : vector<256x56xf32>
    %select_n3A = arith.select %lt3A_3, %sub3A_16, %floor3A_17 : vector<256x56xi1>, vector<256x56xf32>
    %broadcast_in_dim3A = vector.shape_cast %select_n3A : vector<256x56xf32> to vector<256x56x1xf32>
    %broadcast_in_dim3A_18 = vector.shape_cast %broadcast_in_dim3A : vector<256x56x1xf32> to vector<256x56x1xf32>
    %broadcast_in_dim3A_19 = vector.broadcast %broadcast_in_dim3A_18 : vector<256x56x1xf32> to vector<256x56x128xf32>
    %iota3A = tpu.iota {dimensions = array<i32: 2>} : vector<1x1x128xi32>
    %jit3A_20 = arith.constant 64 : i32
    %eq3A = arith.constant 0 : i32
    %eq3A_21 = arith.cmpi eq, %jit3A_20, %eq3A : i32
    %jit3A_22 = arith.constant 1 : i32
    %select_n3A_23 = arith.select %eq3A_21, %jit3A_22, %jit3A_20 : i32
    %rem3A = vector.broadcast %select_n3A_23 : i32 to vector<1x1x128xi32>
    %rem3A_24 = arith.remsi %iota3A, %rem3A : vector<1x1x128xi32>
    %ne3A = arith.constant 0 : i32
    %ne3A_25 = vector.broadcast %ne3A : i32 to vector<1x1x128xi32>
    %ne3A_26 = arith.cmpi ne, %rem3A_24, %ne3A_25 : vector<1x1x128xi32>
    %lt3A_27 = arith.constant 0 : i32
    %lt3A_28 = vector.broadcast %lt3A_27 : i32 to vector<1x1x128xi32>
    %lt3A_29 = arith.cmpi slt, %rem3A_24, %lt3A_28 : vector<1x1x128xi32>
    %lt3A_30 = arith.constant 0 : i32
    %lt3A_31 = arith.cmpi slt, %select_n3A_23, %lt3A_30 : i32
    %ne3A_32 = vector.broadcast %lt3A_31 : i1 to vector<1x1x128xi1>
    %ne3A_33 = vector.broadcast %ne3A_32 : vector<1x1x128xi1> to vector<1x1x128xi1>
    %ne3A_34 = arith.xori %lt3A_29, %ne3A_33 : vector<1x1x128xi1>
    %and3A = arith.andi %ne3A_34, %ne3A_26 : vector<1x1x128xi1>
    %add3A = vector.broadcast %select_n3A_23 : i32 to vector<1x1x128xi32>
    %add3A_35 = arith.addi %rem3A_24, %add3A : vector<1x1x128xi32>
    %select_n3A_36 = arith.select %and3A, %add3A_35, %rem3A_24 : vector<1x1x128xi1>, vector<1x1x128xi32>
    %convert_element_type3A = arith.sitofp %select_n3A_36 : vector<1x1x128xi32> to vector<1x1x128xf32>
    %mul3A = arith.constant -0.14391157 : f32
    %mul3A_37 = vector.broadcast %mul3A : f32 to vector<1x1x128xf32>
    %mul3A_38 = arith.mulf %convert_element_type3A, %mul3A_37 : vector<1x1x128xf32>
    %add3A_39 = arith.constant -1.83787704 : f32
    %add3A_40 = vector.broadcast %add3A_39 : f32 to vector<1x1x128xf32>
    %add3A_41 = arith.addf %mul3A_38, %add3A_40 : vector<1x1x128xf32>
    %exp3A = math.exp %add3A_41 : vector<1x1x128xf32>
    %ge3A = arith.constant 64 : i32
    %ge3A_42 = vector.broadcast %ge3A : i32 to vector<1x1x128xi32>
    %ge3A_43 = arith.cmpi sge, %iota3A, %ge3A_42 : vector<1x1x128xi32>
    %jit3A_44 = arith.constant 2.500000e-01 : f32
    %jit3A_45 = arith.constant 0.000000e+00 : f32
    %broadcast_in_dim3A_46 = vector.broadcast %jit3A_44 : f32 to vector<1x1x128xf32>
    %broadcast_in_dim3A_47 = vector.broadcast %jit3A_45 : f32 to vector<1x1x128xf32>
    %select_n3A_48 = arith.select %ge3A_43, %broadcast_in_dim3A_46, %broadcast_in_dim3A_47 : vector<1x1x128xi1>, vector<1x1x128xf32>
    %mul3A_49 = vector.broadcast %exp3A : vector<1x1x128xf32> to vector<256x56x128xf32>
    %mul3A_50 = arith.mulf %broadcast_in_dim3A_19, %mul3A_49 : vector<256x56x128xf32>
    %add3A_51 = vector.broadcast %select_n3A_48 : vector<1x1x128xf32> to vector<256x56x128xf32>
    %add3A_52 = arith.addf %mul3A_50, %add3A_51 : vector<256x56x128xf32>
    %add3A_53 = arith.constant 5.000000e-01 : f32
    %add3A_54 = vector.broadcast %add3A_53 : f32 to vector<256x56x128xf32>
    %add3A_55 = arith.addf %add3A_52, %add3A_54 : vector<256x56x128xf32>
    %floor3A_56 = math.floor %add3A_55 : vector<256x56x128xf32>
    %sub3A_57 = arith.subf %add3A_52, %floor3A_56 : vector<256x56x128xf32>
    %mul3A_58 = arith.mulf %sub3A_57, %sub3A_57 : vector<256x56x128xf32>
    %mul3A_59 = arith.constant 32.7826576 : f32
    %mul3A_60 = vector.broadcast %mul3A_59 : f32 to vector<256x56x128xf32>
    %mul3A_61 = arith.mulf %mul3A_60, %mul3A_58 : vector<256x56x128xf32>
    %add3A_62 = arith.constant -74.4786453 : f32
    %add3A_63 = vector.broadcast %add3A_62 : f32 to vector<256x56x128xf32>
    %add3A_64 = arith.addf %mul3A_61, %add3A_63 : vector<256x56x128xf32>
    %mul3A_65 = arith.mulf %add3A_64, %mul3A_58 : vector<256x56x128xf32>
    %add3A_66 = arith.constant 81.3669205 : f32
    %add3A_67 = vector.broadcast %add3A_66 : f32 to vector<256x56x128xf32>
    %add3A_68 = arith.addf %mul3A_65, %add3A_67 : vector<256x56x128xf32>
    %mul3A_69 = arith.mulf %add3A_68, %mul3A_58 : vector<256x56x128xf32>
    %add3A_70 = arith.constant -41.3312225 : f32
    %add3A_71 = vector.broadcast %add3A_70 : f32 to vector<256x56x128xf32>
    %add3A_72 = arith.addf %mul3A_69, %add3A_71 : vector<256x56x128xf32>
    %mul3A_73 = arith.mulf %add3A_72, %mul3A_58 : vector<256x56x128xf32>
    %add3A_74 = arith.constant 6.28305578 : f32
    %add3A_75 = vector.broadcast %add3A_74 : f32 to vector<256x56x128xf32>
    %add3A_76 = arith.addf %mul3A_73, %add3A_75 : vector<256x56x128xf32>
    %mul3A_77 = arith.mulf %add3A_76, %sub3A_57 : vector<256x56x128xf32>
    %get3A_78 = arith.constant 0 : index
    %get3A_79 = arith.constant 0 : index
    %get3A_80 = vector.load %arg2[%get3A_78, %get3A_79] : memref<2x128xf32, #tpu.memory_space<vmem>>, vector<1x128xf32>
    %get3A_81 = vector.shape_cast %get3A_80 : vector<1x128xf32> to vector<128xf32>
    %get3A_82 = arith.constant 1 : index
    %get3A_83 = arith.constant 0 : index
    %get3A_84 = vector.load %arg2[%get3A_82, %get3A_83] : memref<2x128xf32, #tpu.memory_space<vmem>>, vector<1x128xf32>
    %get3A_85 = vector.shape_cast %get3A_84 : vector<1x128xf32> to vector<128xf32>
    %get3A_86 = arith.constant 0 : index
    %get3A_87 = arith.constant 0 : index
    %get3A_88 = vector.load %arg3[%get3A_86, %get3A_87] : memref<2x128xf32, #tpu.memory_space<vmem>>, vector<1x128xf32>
    %get3A_89 = vector.shape_cast %get3A_88 : vector<1x128xf32> to vector<128xf32>
    %get3A_90 = arith.constant 1 : index
    %get3A_91 = arith.constant 0 : index
    %get3A_92 = vector.load %arg3[%get3A_90, %get3A_91] : memref<2x128xf32, #tpu.memory_space<vmem>>, vector<1x128xf32>
    %get3A_93 = vector.shape_cast %get3A_92 : vector<1x128xf32> to vector<128xf32>
    %add3A_94 = arith.addf %get3A_81, %get3A_89 : vector<128xf32>
    %add3A_95 = arith.addf %get3A_81, %get3A_93 : vector<128xf32>
    %add3A_96 = arith.addf %get3A_85, %get3A_93 : vector<128xf32>
    %add3A_97 = arith.addf %get3A_85, %get3A_89 : vector<128xf32>
    %mul3A_98 = arith.constant -1.100000e+01 : f32
    %mul3A_99 = vector.broadcast %mul3A_98 : f32 to vector<128xf32>
    %mul3A_100 = arith.mulf %mul3A_99, %add3A_94 : vector<128xf32>
    %mul3A_101 = arith.constant 1.800000e+01 : f32
    %mul3A_102 = vector.broadcast %mul3A_101 : f32 to vector<128xf32>
    %mul3A_103 = arith.mulf %mul3A_102, %add3A_95 : vector<128xf32>
    %add3A_104 = arith.addf %mul3A_100, %mul3A_103 : vector<128xf32>
    %mul3A_105 = arith.constant 9.000000e+00 : f32
    %mul3A_106 = vector.broadcast %mul3A_105 : f32 to vector<128xf32>
    %mul3A_107 = arith.mulf %mul3A_106, %add3A_96 : vector<128xf32>
    %sub3A_108 = arith.subf %add3A_104, %mul3A_107 : vector<128xf32>
    %mul3A_109 = arith.constant 2.000000e+00 : f32
    %mul3A_110 = vector.broadcast %mul3A_109 : f32 to vector<128xf32>
    %mul3A_111 = arith.mulf %mul3A_110, %add3A_97 : vector<128xf32>
    %add3A_112 = arith.addf %sub3A_108, %mul3A_111 : vector<128xf32>
    %mul3A_113 = arith.constant 0.166666672 : f32
    %mul3A_114 = vector.broadcast %mul3A_113 : f32 to vector<128xf32>
    %mul3A_115 = arith.mulf %add3A_112, %mul3A_114 : vector<128xf32>
    %mul3A_116 = arith.constant 2.000000e+00 : f32
    %mul3A_117 = vector.broadcast %mul3A_116 : f32 to vector<128xf32>
    %mul3A_118 = arith.mulf %mul3A_117, %add3A_94 : vector<128xf32>
    %mul3A_119 = arith.constant 5.000000e+00 : f32
    %mul3A_120 = vector.broadcast %mul3A_119 : f32 to vector<128xf32>
    %mul3A_121 = arith.mulf %mul3A_120, %add3A_95 : vector<128xf32>
    %sub3A_122 = arith.subf %mul3A_118, %mul3A_121 : vector<128xf32>
    %mul3A_123 = arith.constant 4.000000e+00 : f32
    %mul3A_124 = vector.broadcast %mul3A_123 : f32 to vector<128xf32>
    %mul3A_125 = arith.mulf %mul3A_124, %add3A_96 : vector<128xf32>
    %add3A_126 = arith.addf %sub3A_122, %mul3A_125 : vector<128xf32>
    %sub3A_127 = arith.subf %add3A_126, %add3A_97 : vector<128xf32>
    %mul3A_128 = arith.constant 5.000000e-01 : f32
    %mul3A_129 = vector.broadcast %mul3A_128 : f32 to vector<128xf32>
    %mul3A_130 = arith.mulf %sub3A_127, %mul3A_129 : vector<128xf32>
    %neg3A_131 = arith.constant 0.000000e+00 : f32
    %neg3A_132 = vector.broadcast %neg3A_131 : f32 to vector<128xf32>
    %neg3A_133 = arith.subf %neg3A_132, %add3A_94 : vector<128xf32>
    %mul3A_134 = arith.constant 3.000000e+00 : f32
    %mul3A_135 = vector.broadcast %mul3A_134 : f32 to vector<128xf32>
    %mul3A_136 = arith.mulf %mul3A_135, %add3A_95 : vector<128xf32>
    %add3A_137 = arith.addf %neg3A_133, %mul3A_136 : vector<128xf32>
    %mul3A_138 = arith.constant 3.000000e+00 : f32
    %mul3A_139 = vector.broadcast %mul3A_138 : f32 to vector<128xf32>
    %mul3A_140 = arith.mulf %mul3A_139, %add3A_96 : vector<128xf32>
    %sub3A_141 = arith.subf %add3A_137, %mul3A_140 : vector<128xf32>
    %add3A_142 = arith.addf %sub3A_141, %add3A_97 : vector<128xf32>
    %mul3A_143 = arith.constant 0.166666672 : f32
    %mul3A_144 = vector.broadcast %mul3A_143 : f32 to vector<128xf32>
    %mul3A_145 = arith.mulf %add3A_142, %mul3A_144 : vector<128xf32>
    %get3A_146 = arith.constant 0 : index
    %get3A_147 = arith.constant 0 : index
    %get3A_148 = vector.load %arg4[%get3A_146, %get3A_147] : memref<2x128xf32, #tpu.memory_space<vmem>>, vector<1x128xf32>
    %get3A_149 = vector.shape_cast %get3A_148 : vector<1x128xf32> to vector<128xf32>
    %get3A_150 = arith.constant 1 : index
    %get3A_151 = arith.constant 0 : index
    %get3A_152 = vector.load %arg4[%get3A_150, %get3A_151] : memref<2x128xf32, #tpu.memory_space<vmem>>, vector<1x128xf32>
    %get3A_153 = vector.shape_cast %get3A_152 : vector<1x128xf32> to vector<128xf32>
    %add3A_154 = arith.addf %get3A_149, %get3A_153 : vector<128xf32>
    %mul3A_155 = arith.constant 5.000000e-01 : f32
    %mul3A_156 = vector.broadcast %mul3A_155 : f32 to vector<128xf32>
    %mul3A_157 = arith.mulf %add3A_154, %mul3A_156 : vector<128xf32>
    %mul3A_158 = arith.constant -3.000000e+00 : f32
    %mul3A_159 = vector.broadcast %mul3A_158 : f32 to vector<128xf32>
    %mul3A_160 = arith.mulf %mul3A_159, %mul3A_157 : vector<128xf32>
    %mul3A_161 = arith.constant 4.000000e+00 : f32
    %mul3A_162 = vector.broadcast %mul3A_161 : f32 to vector<128xf32>
    %mul3A_163 = arith.mulf %mul3A_162, %get3A_149 : vector<128xf32>
    %add3A_164 = arith.addf %mul3A_160, %mul3A_163 : vector<128xf32>
    %sub3A_165 = arith.subf %add3A_164, %get3A_153 : vector<128xf32>
    %mul3A_166 = arith.constant 5.000000e-01 : f32
    %mul3A_167 = vector.broadcast %mul3A_166 : f32 to vector<128xf32>
    %mul3A_168 = arith.mulf %sub3A_165, %mul3A_167 : vector<128xf32>
    %mul3A_169 = arith.constant 2.000000e+00 : f32
    %mul3A_170 = vector.broadcast %mul3A_169 : f32 to vector<128xf32>
    %mul3A_171 = arith.mulf %mul3A_170, %get3A_149 : vector<128xf32>
    %sub3A_172 = arith.subf %mul3A_157, %mul3A_171 : vector<128xf32>
    %add3A_173 = arith.addf %sub3A_172, %get3A_153 : vector<128xf32>
    %mul3A_174 = arith.constant 5.000000e-01 : f32
    %mul3A_175 = vector.broadcast %mul3A_174 : f32 to vector<128xf32>
    %mul3A_176 = arith.mulf %add3A_173, %mul3A_175 : vector<128xf32>
    %sub3A_177 = arith.constant -1.000000e+00 : f32
    %sub3A_178 = vector.broadcast %sub3A_177 : f32 to vector<256x56x128xf32>
    %sub3A_179 = arith.subf %sub3A_178, %broadcast_in_dim3A_19 : vector<256x56x128xf32>
    %mul3A_180 = arith.constant 2.500000e-01 : f32
    %mul3A_181 = vector.broadcast %mul3A_180 : f32 to vector<256x56x128xf32>
    %mul3A_182 = arith.mulf %sub3A_179, %mul3A_181 : vector<256x56x128xf32>
    %floor3A_183 = math.floor %mul3A_182 : vector<256x56x128xf32>
    %mul3A_184 = arith.constant 4.000000e+00 : f32
    %mul3A_185 = vector.broadcast %mul3A_184 : f32 to vector<256x56x128xf32>
    %mul3A_186 = arith.mulf %mul3A_185, %floor3A_183 : vector<256x56x128xf32>
    %sub3A_187 = arith.subf %sub3A_179, %mul3A_186 : vector<256x56x128xf32>
    %broadcast_in_dim3A_188 = vector.shape_cast %mul3A_145 : vector<128xf32> to vector<1x1x128xf32>
    %mul3A_189 = vector.broadcast %broadcast_in_dim3A_188 : vector<1x1x128xf32> to vector<256x56x128xf32>
    %mul3A_190 = arith.mulf %mul3A_189, %sub3A_187 : vector<256x56x128xf32>
    %broadcast_in_dim3A_191 = vector.shape_cast %mul3A_130 : vector<128xf32> to vector<1x1x128xf32>
    %add3A_192 = vector.broadcast %broadcast_in_dim3A_191 : vector<1x1x128xf32> to vector<256x56x128xf32>
    %add3A_193 = arith.addf %mul3A_190, %add3A_192 : vector<256x56x128xf32>
    %mul3A_194 = arith.mulf %add3A_193, %sub3A_187 : vector<256x56x128xf32>
    %broadcast_in_dim3A_195 = vector.shape_cast %mul3A_115 : vector<128xf32> to vector<1x1x128xf32>
    %add3A_196 = vector.broadcast %broadcast_in_dim3A_195 : vector<1x1x128xf32> to vector<256x56x128xf32>
    %add3A_197 = arith.addf %mul3A_194, %add3A_196 : vector<256x56x128xf32>
    %mul3A_198 = arith.mulf %add3A_197, %sub3A_187 : vector<256x56x128xf32>
    %broadcast_in_dim3A_199 = vector.shape_cast %add3A_94 : vector<128xf32> to vector<1x1x128xf32>
    %add3A_200 = vector.broadcast %broadcast_in_dim3A_199 : vector<1x1x128xf32> to vector<256x56x128xf32>
    %add3A_201 = arith.addf %mul3A_198, %add3A_200 : vector<256x56x128xf32>
    %broadcast_in_dim3A_202 = vector.shape_cast %mul3A_176 : vector<128xf32> to vector<1x1x128xf32>
    %mul3A_203 = vector.broadcast %broadcast_in_dim3A_202 : vector<1x1x128xf32> to vector<256x56x128xf32>
    %mul3A_204 = arith.mulf %mul3A_203, %floor3A_183 : vector<256x56x128xf32>
    %broadcast_in_dim3A_205 = vector.shape_cast %mul3A_168 : vector<128xf32> to vector<1x1x128xf32>
    %add3A_206 = vector.broadcast %broadcast_in_dim3A_205 : vector<1x1x128xf32> to vector<256x56x128xf32>
    %add3A_207 = arith.addf %mul3A_204, %add3A_206 : vector<256x56x128xf32>
    %mul3A_208 = arith.mulf %add3A_207, %floor3A_183 : vector<256x56x128xf32>
    %broadcast_in_dim3A_209 = vector.shape_cast %mul3A_157 : vector<128xf32> to vector<1x1x128xf32>
    %add3A_210 = vector.broadcast %broadcast_in_dim3A_209 : vector<1x1x128xf32> to vector<256x56x128xf32>
    %add3A_211 = arith.addf %mul3A_208, %add3A_210 : vector<256x56x128xf32>
    %add3A_212 = arith.addf %add3A_201, %add3A_211 : vector<256x56x128xf32>
    %lt3A_213 = arith.constant 0.000000e+00 : f32
    %lt3A_214 = vector.broadcast %lt3A_213 : f32 to vector<256x56x128xf32>
    %lt3A_215 = arith.cmpf olt, %broadcast_in_dim3A_19, %lt3A_214 : vector<256x56x128xf32>
    %select_n3A_216 = arith.select %lt3A_215, %add3A_212, %mul3A_77 : vector<256x56x128xi1>, vector<256x56x128xf32>
    %swap3A = arith.constant 0 : index
    %swap3A_217 = arith.constant 0 : index
    %swap3A_218 = arith.constant 0 : index
    %swap3A_219 = vector.load %arg5[%swap3A, %swap3A_217, %swap3A_218] : memref<256x56x128xf32, #tpu.memory_space<vmem>>, vector<256x56x128xf32>
    tpu.vector_store %arg5[%swap3A, %swap3A_217, %swap3A_218], %select_n3A_216 {strides = array<i32>} : memref<256x56x128xf32, #tpu.memory_space<vmem>>, vector<256x56x128xf32>,
    return
  }
  func.func @transform_0(%arg0: i32) -> (i32, i32) {
    %c0_i32 = arith.constant 0 : i32
    %c0_i32_0 = arith.constant 0 : i32
    return %arg0, %c0_i32 : i32, i32
  }
  func.func @transform_1(%arg0: i32) -> (i32, i32) {
    %c0_i32 = arith.constant 0 : i32
    %c0_i32_0 = arith.constant 0 : i32
    %c0_i32_1 = arith.constant 0 : i32
    return %c0_i32, %c0_i32_0 : i32, i32
  }
  func.func @transform_2(%arg0: i32) -> (i32, i32) {
    %c0_i32 = arith.constant 0 : i32
    %c0_i32_0 = arith.constant 0 : i32
    %c0_i32_1 = arith.constant 0 : i32
    return %c0_i32, %c0_i32_0 : i32, i32
  }
  func.func @transform_3(%arg0: i32) -> (i32, i32) {
    %c0_i32 = arith.constant 0 : i32
    %c0_i32_0 = arith.constant 0 : i32
    %c0_i32_1 = arith.constant 0 : i32
    return %c0_i32, %c0_i32_0 : i32, i32
  }
  func.func @transform_4(%arg0: i32) -> (i32, i32, i32) {
    %c0_i32 = arith.constant 0 : i32
    %c0_i32_0 = arith.constant 0 : i32
    %c0_i32_1 = arith.constant 0 : i32
    return %arg0, %c0_i32, %c0_i32_0 : i32, i32, i32
  }
}

</mosaic_0001>

<sc_bundles>
// kernel: sparse-core-data-format-call.cloned.1.call-start
scs
called_computation_lowered:
.L_overlay_start_0:
0x0: {  	s2 =	sld [smem:$0x3FD9]  }
0x1: {  	s3 =	sld [smem:$0x3FFE];
	_ =	sdelay $0x1  }
0x2: {  	s1 =	srdreg.scid  }
0x3: {  	s0 =	sand.u32 $0x1, s1  }
0x4: {  	s18 =	sshll.u32 s0, $0xA;
	s2 =	sadd.s32 s3, s2  }
0x5: {  	s2 =	sadd.s32 s2, s18  }
0x6: {  	[smem:$0x3FC4] =	sst s2  }
0x7: {  	_ = 	snop  }
0x8: {  	s2 =	sld [smem:$0x3FD0];
	(tm) =	ssettm $0x1  }
0x9: {  	s19 =	sld [smem:$0x3FFB];
	_ =	sdelay $0x3  }
0xa: {  	_ =	strace s19  }
0xb: {  	s3 =	sld [smem:$0x3FFC];
	_ =	sdelay $0x3  }
0xc: {  	_ =	strace s3  }
0xd: {  	s3 =	sld [smem:$0x3FFD];
	_ =	sdelay $0x3  }
0xe: {  	_ =	strace s3  }
0xf: {  	_ =	strace $0x8FFFFFFF  }
0x10: {  	s20 =	sld [smem:$0x3FDB];
	_ =	sdelay $0x1  }
0x11: {  	s4 =	simm.s32 $_scs_section_size  }
0x12: {  	s5 =	simm.s32 $_size__tile_overlayer_lowered;
	s6 =	simm.s32 $_tile_overlayer_lowered  }
0x13: {  	s23 =	simm.s32 $0x1BFF;
	s22 =	sshll.u32 s6, $0x1;
	s3 =	sadd.s32 s4, s20  }
0x14: {  	s7 =	simm.s32 $0x0;
	s21 =	sshll.u32 s5, $0x1;
	s5 =	sadd.s32 s22, s3  }
0x15: {  	[timem:s7], [sflag:s23] =	dma.local [hbm:s5], s21  }
0x16: {  	_ =	swait.ge [sflag:s23], s21  }
0x17: {  	s4 =	ssub.s32 $0x0, s21;
	[sflag:s23] =	ssyncset.done $0x0  }
0x18: {  	[sflag:s23] =	ssyncadd.s32 s4;
	_ =	sdelay $0x1  }
0x19: {  	s24 =	simm.s32 $0x1B8B  }
0x1a: {  	_ =	swait.ge [sflag:s24], $0x1  }
0x1b: {  	[sflag:s24] =	ssyncset.done $0x0  }
0x1c: {  	s26 =	simm.s32 $0x1B8E;
	s25 =	sld [smem:$0x3FFE];
	[sflag:s24] =	ssyncadd.s32 $0xFFFFFFFF  }
0x1d: {  	s27 =	simm.s32 $execute0_lowered;
	[smem:$0x3FD2] =	sst s26  }
0x1e: {  	s5 =	sshll.u32 s27, $0x1;
	_ =	strace $0x80000046;
	[dreg:$0x1] =	wrdreg $0xFFFFFFFF  }
0x1f: {  	s28 =	simm.s32 $_size_execute0_lowered;
	s3 =	sadd.s32 s3, s5;
	[dreg:$0x0] =	wrdreg $0x0  }
0x20: {  	s5 =	sshll.u32 s28, $0x1;
	[dreg:$0x2] =	wrdreg s3  }
0x21: {  	[dreg:$0x3] =	wrdreg s5  }
0x22: {  	[dreg:$0x4] =	wrdreg $0xC0  }
0x23: {  	_ =	task [dreg:s7], $0x5FFFF  }
0x24: {  	[dreg:$0x1] =	wrdreg $0xFFFFFFFF  }
0x25: {  	[dreg:$0x0] =	wrdreg $0x60  }
0x26: {  	[dreg:$0x2] =	wrdreg s25  }
0x27: {  	[dreg:$0x3] =	wrdreg s2  }
0x28: {  	[dreg:$0x4] =	wrdreg $0x9  }
0x29: {  	_ =	task.clear_ibuf [dreg:s7], $0x5FFFF;
	_ =	strace $0x90000046  }
0x2a: {  	s29 =	simm.s32 $0x9;
	_ =	strace $0x80000048  }
0x2b: {  	_ =	swait.ge [sflag:s29], $0x1  }
0x2c: {  	[sflag:s29] =	ssyncadd.s32 $0xFFFFFFFF  }
0x2d: {  	_ =	strace $0x90000048  }
0x2e: {  	_ =	sfence  }
0x2f: {  	s30 =	sld [smem:$0x0];
	_ =	sdelay $0x2  }
0x30: {  	s31 =	sshll.u32 s1, $0xD;
	s1 =	sshrl.u32 s1, $0x2  }
0x31: {  	s3 =	sand.u32 $0x4000, s31;
	s1 =	sadd.s32 s1, s30  }
0x32: {  	s0 =	sor.u32 s3, s0;
	s1 =	sshll.u32 s1, $0x11  }
0x33: {  	s0 =	sor.u32 s1, s0  }
0x34: {  	s0 =	sadd.s32 $0x8F2B, s0  }
0x35: {  	[sflag:s0] =	ssyncadd.remote.s32 $0x1  }
0x36: {  	_ =	sfence.sel $0xFFFF  }
0x37: {  	[dreg:$0x0] =	wrdreg $0xFFFFFFFF;
	(pc) =	sbr.abs _section_cstart, $3  }
0x38: {  	[dreg:$0x1] =	wrdreg $0xFFFFFFFF  }
0x39: {  	_ =	task.clear_ibuf [dreg:s7], $0x2FFFF;
	_ =	strace $0x9FFFFFFF  }
0x3a: {  	(tm) =	ssettm $0x7FFFFFFF  }
0x3b: {  	_ =	shalt  }
tec
execute0_lowered:
.L_overlay_start_1:
0x0: {  	(tag) =	ssettag $0x1  }
0x1: {  	s0 =	srdreg.scid  }
0x2: {  	s1 =	sshll.u32 s0, $0x4  }
0x3: {  	s0 =	stileid.u32;
	s1 =	sand.u32 $0x10, s1  }
0x4: {  	s1 =	sor.u32 s0, s1  }
0x5: {  	s6 =	rddreg [dreg:$0x0];
	s4 =	simm.s32 $0x1;
	s2 =	sshll.u32 s1, $0x6  }
0x6: {  	s7 =	simm.s32 $0x2;
	s13 =	simm.s32 $0x0;
	s1 =	ssub.s32 $0x4000, s2  }
0x7: {  	s8 =	simm.s32 $0x2000;
	s9 =	simm.s32 $0x200000;
	s3 =	sand.u32 $0x7C0, s1  }
0x8: {  	s14 =	simm.s32 $0x0;
	s5 =	sshrl.u32 s1, $0xB;
	p0 =	sne.s32 s3, $0x0  }
.Ltmp0:
0x9: {  	s1 =	rddreg [dreg:$0x2];
	s4 =	simm.s32 @!p0 $0x0;
	(pc) =	sbr.rel .LBB1_1-.Ltmp0, $4  }
0xa: {  	s10 =	simm.s32 $0x0;
	s3 =	rddreg [dreg:$0x1];
	s5 =	sadd.s32 s4, s5  }
0xb: {  	_ =	strace $0x80000047;
	s4 =	simm.s32 $0x1;
	s5 =	smul.u32 $0x19, s5  }
0xc: {  	s12 =	simm.s32 $0x0;
	s6 =	sadd.s32 $0x400, s6;
	[sflag:s4] =	ssyncpa.u1 $0x0  }
0xd: {  	s11 =	smov.u32 s2;
	[sflag:s7] =	ssyncpa.u1 $0x0;
	s7 =	sadd.s32 $0x1, s5  }
.LBB1_7:
0xe: {  	s15 =	sadd.s32 $0x2, s10  }
0xf: {  	s13 =	sadd.s32 $0x800, s11;
	s17 =	smov.u32 s11;
	p1 =	sgt.s32 s15, $0x31  }
0x10: {  	s17 =	smov.u32 @p1 s13  }
0x11: {  	s15 =	simm.s32 @p1 $0x0;
	p1 =	sgt.s32 s17, $0x3FFF  }
0x12: {  	s17 =	smov.u32 @p1 s2;
	p1 =	sne.s32 s12, s7  }
.Ltmp1:
0x13: {  	p0 =	slt.u32 s12, $0x2;
	(pc) =	sbr.rel @!p1 .LBB1_8-.Ltmp1, $4  }
0x14: {  	s16 =	simm.s32 @!p0 $0x2  }
0x15: {  	s14 =	smov.u32 s11;
	_ =	swait.ge @!p0 [sflag:s16], $0x4000  }
0x16: {  	s13 =	smov.u32 s10;
	[sflag:s16] =	ssyncset.done @!p0 $0x0;
	s10 =	smov.u32 s15  }
0x17: {  	s12 =	sadd.s32 $0x1, s12;
	[sflag:s16] =	ssyncadd.s32 @!p0 $0xFFFFC000;
	s11 =	smov.u32 s17  }
.LBB1_1:
0x18: {  	p0 =	sge.u32 s12, s5  }
0x19: {  	s15 =	sand.u32 @!p0 $0x1FFFFFF, s10  }
0x1a: {  	s16 =	smulhi.u32 @!p0 $0x4924925, s15;
	_ =	sdelay $0x1  }
0x1b: {  	s16 =	smul.u32 @!p0 $0x38, s16  }
0x1c: {  	s17 =	sxor.u32 @!p0 $0xFFFFFFFF, s12;
	s18 =	smul.u32 @!p0 $0x380, s11  }
0x1d: {  	s31 =	sadd.s32 $0xFFFFFFFF, s12;
	s17 =	sshll.u32 @!p0 s17, $0xE;
	s15 =	ssub.s32 @!p0 s15, s16  }
0x1e: {  	s16 =	sand.u32 @!p0 $0x4000, s17;
	s17 =	sadd.s32 @!p0 s6, s18;
	s15 =	sshll.u32 @!p0 s15, $0x4  }
0x1f: {  	s18 =	simm.s32 @!p0 $0x1C00;
	s15 =	sadd.s32 @!p0 s15, s17;
	s17 =	simm.s32 @!p0 $0x100  }
0x20: {  	[tilespmem:s16], [sflag:$0x1] =	stream.strided.gather @!p0 [hbm4b:s15+s17], $0x4000, s18, s17, $0x38;
	[tilespmem:$0x10000] =	vst v63  }
0x21: {  	p0 =	sge.u32 s31, s5  }
.Ltmp2:
0x22: {  	_ = 	snop;
	(pc) =	sbr.rel @p0 .LBB1_7-.Ltmp2, $1  }
0x23: {  	_ =	sdelay $0x3  }
0x24: {  	_ =	swait.ge [sflag:s4], $0x4000;
	s15 =	sshll.u32 s12, $0xE  }
0x25: {  	[sflag:s4] =	ssyncset.done $0x0;
	s16 =	sand.u32 $0x4000, s15  }
0x26: {  	s17 =	simm.s32 $0x0;
	[sflag:s4] =	ssyncadd.s32 $0xFFFFC000;
	s15 =	sor.u32 $0x8000, s16  }
.LBB1_3:
0x27: {  	s18 =	sshll.u32 s17, $0x8  }
0x28: {  	s18 =	sand.u32 $0x3FFFFF00, s18  }
0x29: {  	s19 =	sshll.u32 s17, $0x7;
	s18 =	sadd.s32 s18, s16  }
0x2a: {  	s19 =	sand.u32 $0x3FFFFF80, s19;
	v0 =	vmov s18  }
0x2b: {  	s19 =	sadd.s32 s19, s15  }
0x2c: {  	p0 =	por $0x1, $0x1;
	v1 =	vmov s19;
	s18 =	simm.s32 $0x0  }
.LBB1_4:
0x2d: {  	s19 =	sshll.u32 s18, $0x7  }
0x2e: {  	s19 =	sand.u32 $0x3FFFFF80, s19  }
0x2f: {  	v2 =	vld.idx.msk [tilespmem:v0+s19+$0x0 ss:$0x1], $0xffff  }
0x30: {  	v3 =	vld.idx.msk [tilespmem:v0+s19+$0x10 ss:$0x1], $0xffff  }
0x31: {  	v4 =	vld.idx.msk [tilespmem:v0+s19+$0x20 ss:$0x1], $0xffff  }
0x32: {  	s31 =	sshll.u32 s18, $0xD;
	v5 =	vld.idx.msk [tilespmem:v0+s19+$0x30 ss:$0x1], $0xffff  }
0x33: {  	s18 =	sand.u32 $0x3FFFE000, s31;
	v6 =	vld.idx.msk [tilespmem:v0+s19+$0x40 ss:$0x1], $0xffff  }
0x34: {  	v63 =	vld.idx.msk [tilespmem:v0+s19+$0x70 ss:$0x1], $0xffff;
	[tilespmem:v1+s18+$0x0 ss:$0x1] =	vst.idx.msk $0xffff, v2  }
0x35: {  	v2 =	vld.idx.msk [tilespmem:v0+s19+$0x50 ss:$0x1], $0xffff;
	[tilespmem:v1+s18+$0x10 ss:$0x1] =	vst.idx.msk $0xffff, v3  }
0x36: {  	p1 =	por p0, p0;
	v3 =	vld.idx.msk [tilespmem:v0+s19+$0x60 ss:$0x1], $0xffff;
	[tilespmem:v1+s18+$0x20 ss:$0x1] =	vst.idx.msk $0xffff, v4  }
.Ltmp3:
0x37: {  	[tilespmem:v1+s18+$0x30 ss:$0x1] =	vst.idx.msk $0xffff, v5;
	(pc) =	sbr.rel @p1 .LBB1_4-.Ltmp3, $4  }
0x38: {  	[tilespmem:v1+s18+$0x40 ss:$0x1] =	vst.idx.msk $0xffff, v6  }
0x39: {  	[tilespmem:v1+s18+$0x70 ss:$0x1] =	vst.idx.msk $0xffff, v63  }
0x3a: {  	[tilespmem:v1+s18+$0x50 ss:$0x1] =	vst.idx.msk $0xffff, v2  }
0x3b: {  	p0 =	por $0x0, $0x0;
	[tilespmem:v1+s18+$0x60 ss:$0x1] =	vst.idx.msk $0xffff, v3;
	s18 =	simm.s32 $0x1  }
0x3c: {  	s17 =	sadd.s32 $0x1, s17  }
0x3d: {  	p0 =	sne.s32 s17, $0x40  }
.Ltmp4:
0x3e: {  	_ = 	snop;
	(pc) =	sbr.rel @p0 .LBB1_3-.Ltmp4, $1  }
0x3f: {  	_ =	sdelay $0x3  }
.Ltmp5:
0x40: {  	s14 =	sshll.u32 s14, $0x4;
	(pc) =	sbr.rel .LBB1_7-.Ltmp5, $4  }
0x41: {  	s14 =	sand.u32 $0x3FFF0, s14  }
0x42: {  	s13 =	sshll.u32 s13, $0x12;
	s14 =	sadd.s32 s3, s14  }
0x43: {  	s13 =	sadd.s32 s13, s14  }
0x44: {  	[hbm4b:s13+s8] =	stream.strided.scatter [tilespmem:s15], [sflag:$0x2], $0x4000, s9, s8, $0x38;
	[tilespmem:$0x10000] =	vst v63  }
.LBB1_8:
0x45: {  	_ =	sfence.sel $0x180000  }
0x46: {  	s2 =	simm.s32 $0x1;
	[bflag:$0x0] =	sbarrier.arrive $0xFFFF  }
0x47: {  	s31 =	simm.s32 $0x2;
	[sflag:s2] =	ssyncpa.u1 $0x1  }
0x48: {  	[sflag:s31] =	ssyncpa.u1 $0x1  }
0x49: {  	p0 =	sne.s32 s0, $0x0;
	_ =	strace $0x90000047  }
0x4a: {  	s0 =	sadd.s32 @!p0 $0x100000, s1;
	[bflag:$0x2] =	sbarrier.arrive $0xFFFF  }
0x4b: {  	[sflag:s0] =	ssyncadd.tile.s32 @!p0 $0x1;
	_ =	shalt  }
.Lfunc_end1:
_tile_overlayer_lowered:
.L_overlay_start_2:
0x4c: {  	(tag) =	ssettag $0x2  }
0x4d: {  	s0 =	rddreg [dreg:$0x0];
	s2 =	stileid.u32  }
0x4e: {  	s1 =	rddreg [dreg:$0x1];
	p0 =	sne.s32 s2, $0x0  }
0x4f: {  	s3 =	rddreg [dreg:$0x2];
	[bflag:$0x3] =	sbarrier.arrive $0xFFFF;
	s2 =	simm.s32 @!p0 $0x1C01  }
0x50: {  	[timem:s3], [sflag:s2] =	dma.local @!p0 [hbm:s0], s1  }
0x51: {  	s0 =	simm.s32 @!p0 $0x1  }
0x52: {  	_ =	swait.ge @!p0 [sflag:s0], s1  }
0x53: {  	s1 =	ssub.s32 @!p0 $0x0, s1;
	[sflag:s0] =	ssyncset.done @!p0 $0x0  }
0x54: {  	[sflag:s0] =	ssyncadd.s32 @!p0 s1  }
0x55: {  	[bflag:$0x3] =	sbarrier.arrive $0xFFFF  }
0x56: {  	_ =	shalt  }

</sc_bundles>
